<compile_context>
chip_gen: v7x
topology: tpu7x:2x2x1
jax: 0.10.2.dev20260603
libtpu: 0.0.44.dev20260713+nightly
codegen_flags: <defaults>
</compile_context>

<pallas_src>
import jax
import jax.numpy as jnp
from jax import lax
from jax.experimental import pallas as pl
from jax.experimental.pallas import tpu as pltpu
from jax.experimental.pallas import tpu_sc as plsc

N = 16384
D = 4096
L = 16
NUM_WORKERS = 32
ROWS_PER_TILE = N // NUM_WORKERS
R = 4
CHUNKS = ROWS_PER_TILE // R
NBUF_IN = 4
NBUF_OUT = 2
GROUPS = CHUNKS // NBUF_IN


def _body(x_hbm, perm_hbm, out_hbm, perm_v,
          in0, in1, in2, in3, out0, out1,
          sin0, sin1, sin2, sin3, sout0, sout1):
    num_cores = 2
    wid = lax.axis_index("s") * num_cores + lax.axis_index("c")
    row0 = wid * ROWS_PER_TILE

    pltpu.sync_copy(perm_hbm, perm_v)

    def in_copy(g, buf, sem):
        return pltpu.make_async_copy(
            x_hbm.at[pl.ds(row0 + g * R, R), :], buf, sem)

    def out_copy(g, buf, sem):
        return pltpu.make_async_copy(
            buf, out_hbm.at[pl.ds(row0 + g * R, R), :], sem)

    def compute(in_b, out_b):
        @plsc.parallel_loop(0, D // L, unroll=8)
        def _col(j):
            idx = perm_v[pl.ds(j * L, L)]
            for r in range(R):
                row_ids = jnp.full((L,), r, jnp.int32)
                out_b[r, pl.ds(j * L, L)] = plsc.load_gather(
                    in_b, [row_ids, idx])

    in_slots = ((in0, sin0), (in1, sin1), (in2, sin2), (in3, sin3))
    out_slots = ((out0, sout0), (out1, sout1))

    for b, (inb, sin) in enumerate(in_slots):
        in_copy(b, inb, sin).start()

    @pl.loop(0, GROUPS)
    def _iter(i):
        for b, (inb, sin) in enumerate(in_slots):
            outb, sout = out_slots[b % NBUF_OUT]
            g = i * NBUF_IN + b
            in_copy(g, inb, sin).wait()

            @pl.when(g >= NBUF_OUT)
            def _():
                out_copy(g - NBUF_OUT, outb, sout).wait()

            out_copy(g, inb, sout).start()

            @pl.when(i < GROUPS - 1)
            def _():
                in_copy(g + NBUF_IN, inb, sin).start()

    out_copy(CHUNKS - 2, out0, sout0).wait()
    out_copy(CHUNKS - 1, out1, sout1).wait()


def kernel(x, perm):
    mesh = plsc.VectorSubcoreMesh(core_axis_name="c", subcore_axis_name="s")
    f = pl.kernel(
        _body,
        out_type=jax.ShapeDtypeStruct((N, D), jnp.float32),
        mesh=mesh,
        compiler_params=pltpu.CompilerParams(
            use_tc_tiling_on_sc=True, needs_layout_passes=False),
        scratch_types=[
            pltpu.VMEM((D,), jnp.int32),
            pltpu.VMEM((R, D), jnp.float32),
            pltpu.VMEM((R, D), jnp.float32),
            pltpu.VMEM((R, D), jnp.float32),
            pltpu.VMEM((R, D), jnp.float32),
            pltpu.VMEM((R, D), jnp.float32),
            pltpu.VMEM((R, D), jnp.float32),
            pltpu.SemaphoreType.DMA,
            pltpu.SemaphoreType.DMA,
            pltpu.SemaphoreType.DMA,
            pltpu.SemaphoreType.DMA,
            pltpu.SemaphoreType.DMA,
            pltpu.SemaphoreType.DMA,
        ],
    )
    return f(x, perm.astype(jnp.int32))

# --- scband reference (transcript-rebuilt; emitter-appended) ---
"""Pipeline reference for scband-random-permutation-47141561041055 (READ-ONLY COPY).

The authoritative reference and input builder live on the scoring server;
editing this copy changes nothing except your own understanding.
"""

import jax, jax.numpy as jnp
import numpy as np

D = 4096
N = 16384

def setup_inputs(seed: int = 0) -> dict:
    key = jax.random.key(seed)
    kx, kp = jax.random.split(key)
    x = jax.random.normal(kx, (N, D), dtype=jnp.float32)
    # buffer: a fixed random permutation of [0, D)
    perm = jnp.asarray(np.random.RandomState(0).permutation(D), dtype=jnp.int64)
    return {"x": x, "perm": perm}

def reference(x, perm):
    # forward: x[:, perm]  (gather along columns)
    return jnp.take(x, perm, axis=1)

if __name__ == "__main__":
    import jax
    _d = setup_inputs()
    print(jax.jit(kernel)(*tuple(_d.values())))

</pallas_src>

<mosaic_0001>
#map = affine_map<(d0, d1) -> (0, 0)>
#map1 = affine_map<(d0, d1) -> (0)>
module attributes {stable_mosaic.version = 14 : i64} {
  func.func @_body(%arg0: i32, %arg1: i32, %arg2: memref<16384x4096xf32, #tpu.memory_space<hbm>>, %arg3: memref<4096xi32, #tpu.memory_space<hbm>>, %arg4: memref<16384x4096xf32, #tpu.memory_space<hbm>>, %arg5: memref<4096xi32, #tpu.memory_space<vmem>>, %arg6: memref<4x4096xf32, #tpu.memory_space<vmem>>, %arg7: memref<4x4096xf32, #tpu.memory_space<vmem>>, %arg8: memref<4x4096xf32, #tpu.memory_space<vmem>>, %arg9: memref<4x4096xf32, #tpu.memory_space<vmem>>, %arg10: memref<4x4096xf32, #tpu.memory_space<vmem>>, %arg11: memref<4x4096xf32, #tpu.memory_space<vmem>>, %arg12: memref<!tpu.dma_semaphore, #tpu.memory_space<semaphore_mem>>, %arg13: memref<!tpu.dma_semaphore, #tpu.memory_space<semaphore_mem>>, %arg14: memref<!tpu.dma_semaphore, #tpu.memory_space<semaphore_mem>>, %arg15: memref<!tpu.dma_semaphore, #tpu.memory_space<semaphore_mem>>, %arg16: memref<!tpu.dma_semaphore, #tpu.memory_space<semaphore_mem>>, %arg17: memref<!tpu.dma_semaphore, #tpu.memory_space<semaphore_mem>>) attributes {dimension_semantics = [#tpu.dimension_semantics<core_parallel>, #tpu.dimension_semantics<subcore_parallel>], iteration_bounds = array<i64: 2, 16>, scalar_prefetch = 0 : i64, scratch_operands = 13 : i64, tpu.core_type = #tpu.core_type<sc_vector_subcore>, window_params = [{transform_indices = #map}, {transform_indices = #map1}, {transform_indices = #map}]} {
    %mul3A = arith.constant 2 : i32
    %mul3A_0 = arith.muli %arg1, %mul3A : i32
    %add3A = arith.addi %mul3A_0, %arg0 : i32
    %mul3A_1 = arith.constant 512 : i32
    %mul3A_2 = arith.muli %add3A, %mul3A_1 : i32
    "tpu.region"() ({
      %run_scoped3A = tpu.sem_alloc : memref<!tpu.dma_semaphore, #tpu.memory_space<semaphore_mem>>
      tpu.enqueue_dma source(%arg3 : memref<4096xi32, #tpu.memory_space<hbm>>) target(%arg5 : memref<4096xi32, #tpu.memory_space<vmem>>) target_semaphore(%run_scoped3A : memref<!tpu.dma_semaphore, #tpu.memory_space<semaphore_mem>>)
      tpu.wait_dma2 semaphore(%run_scoped3A : memref<!tpu.dma_semaphore, #tpu.memory_space<semaphore_mem>>) src(%arg3 : memref<4096xi32, #tpu.memory_space<hbm>>) dst(%arg5 : memref<4096xi32, #tpu.memory_space<vmem>>)
      tpu.yield
    }) : () -> ()
    %add3A_3 = arith.constant 0 : i32
    %add3A_4 = arith.addi %mul3A_2, %add3A_3 : i32
    %dma_start3A = arith.constant 0 : i32
    %dma_start3A_5 = tpu.memref_slice %arg2[%add3A_4, %dma_start3A] : memref<16384x4096xf32, #tpu.memory_space<hbm>> -> memref<4x4096xf32, #tpu.memory_space<hbm>>
    %dma_start3A_6 = arith.constant 0 : i32
    %dma_start3A_7 = tpu.memref_slice %arg2[%add3A_4, %dma_start3A_6] : memref<16384x4096xf32, #tpu.memory_space<hbm>> -> memref<4x4096xf32, #tpu.memory_space<hbm>>
    tpu.enqueue_dma source(%dma_start3A_7 : memref<4x4096xf32, #tpu.memory_space<hbm>>) target(%arg6 : memref<4x4096xf32, #tpu.memory_space<vmem>>) target_semaphore(%arg12 : memref<!tpu.dma_semaphore, #tpu.memory_space<semaphore_mem>>)
    %add3A_8 = arith.constant 4 : i32
    %add3A_9 = arith.addi %mul3A_2, %add3A_8 : i32
    %dma_start3A_10 = arith.constant 0 : i32
    %dma_start3A_11 = tpu.memref_slice %arg2[%add3A_9, %dma_start3A_10] : memref<16384x4096xf32, #tpu.memory_space<hbm>> -> memref<4x4096xf32, #tpu.memory_space<hbm>>
    %dma_start3A_12 = arith.constant 0 : i32
    %dma_start3A_13 = tpu.memref_slice %arg2[%add3A_9, %dma_start3A_12] : memref<16384x4096xf32, #tpu.memory_space<hbm>> -> memref<4x4096xf32, #tpu.memory_space<hbm>>
    tpu.enqueue_dma source(%dma_start3A_13 : memref<4x4096xf32, #tpu.memory_space<hbm>>) target(%arg7 : memref<4x4096xf32, #tpu.memory_space<vmem>>) target_semaphore(%arg13 : memref<!tpu.dma_semaphore, #tpu.memory_space<semaphore_mem>>)
    %add3A_14 = arith.constant 8 : i32
    %add3A_15 = arith.addi %mul3A_2, %add3A_14 : i32
    %dma_start3A_16 = arith.constant 0 : i32
    %dma_start3A_17 = tpu.memref_slice %arg2[%add3A_15, %dma_start3A_16] : memref<16384x4096xf32, #tpu.memory_space<hbm>> -> memref<4x4096xf32, #tpu.memory_space<hbm>>
    %dma_start3A_18 = arith.constant 0 : i32
    %dma_start3A_19 = tpu.memref_slice %arg2[%add3A_15, %dma_start3A_18] : memref<16384x4096xf32, #tpu.memory_space<hbm>> -> memref<4x4096xf32, #tpu.memory_space<hbm>>
    tpu.enqueue_dma source(%dma_start3A_19 : memref<4x4096xf32, #tpu.memory_space<hbm>>) target(%arg8 : memref<4x4096xf32, #tpu.memory_space<vmem>>) target_semaphore(%arg14 : memref<!tpu.dma_semaphore, #tpu.memory_space<semaphore_mem>>)
    %add3A_20 = arith.constant 12 : i32
    %add3A_21 = arith.addi %mul3A_2, %add3A_20 : i32
    %dma_start3A_22 = arith.constant 0 : i32
    %dma_start3A_23 = tpu.memref_slice %arg2[%add3A_21, %dma_start3A_22] : memref<16384x4096xf32, #tpu.memory_space<hbm>> -> memref<4x4096xf32, #tpu.memory_space<hbm>>
    %dma_start3A_24 = arith.constant 0 : i32
    %dma_start3A_25 = tpu.memref_slice %arg2[%add3A_21, %dma_start3A_24] : memref<16384x4096xf32, #tpu.memory_space<hbm>> -> memref<4x4096xf32, #tpu.memory_space<hbm>>
    tpu.enqueue_dma source(%dma_start3A_25 : memref<4x4096xf32, #tpu.memory_space<hbm>>) target(%arg9 : memref<4x4096xf32, #tpu.memory_space<vmem>>) target_semaphore(%arg15 : memref<!tpu.dma_semaphore, #tpu.memory_space<semaphore_mem>>)
    %scan3A = arith.constant 0 : i32
    %scan3A_26 = arith.constant 32 : i32
    %scan3A_27 = arith.addi %scan3A, %scan3A_26 : i32
    %scan3A_28 = arith.constant 1 : i32
    scf.for %scan3A_41 = %scan3A to %scan3A_27 step %scan3A_28  : i32 {
      %mul3A_42 = arith.constant 1 : i32
      %mul3A_43 = arith.muli %scan3A_41, %mul3A_42 : i32
      %add3A_44 = arith.constant 0 : i32
      %add3A_45 = arith.addi %add3A_44, %mul3A_43 : i32
      %mul3A_46 = arith.constant 4 : i32
      %mul3A_47 = arith.muli %add3A_45, %mul3A_46 : i32
      %add3A_48 = arith.constant 0 : i32
      %add3A_49 = arith.addi %mul3A_47, %add3A_48 : i32
      %mul3A_50 = arith.constant 4 : i32
      %mul3A_51 = arith.muli %add3A_49, %mul3A_50 : i32
      %add3A_52 = arith.addi %mul3A_2, %mul3A_51 : i32
      %dma_wait3A_53 = arith.constant 0 : i32
      %dma_wait3A_54 = tpu.memref_slice %arg2[%add3A_52, %dma_wait3A_53] : memref<16384x4096xf32, #tpu.memory_space<hbm>> -> memref<4x4096xf32, #tpu.memory_space<hbm>>
      %dma_wait3A_55 = arith.constant 0 : i32
      %dma_wait3A_56 = tpu.memref_slice %arg2[%add3A_52, %dma_wait3A_55] : memref<16384x4096xf32, #tpu.memory_space<hbm>> -> memref<4x4096xf32, #tpu.memory_space<hbm>>
      tpu.wait_dma2 semaphore(%arg12 : memref<!tpu.dma_semaphore, #tpu.memory_space<semaphore_mem>>) src(%dma_wait3A_56 : memref<4x4096xf32, #tpu.memory_space<hbm>>) dst(%arg6 : memref<4x4096xf32, #tpu.memory_space<vmem>>)
      %ge3A = arith.constant 2 : i32
      %ge3A_57 = arith.cmpi sge, %add3A_49, %ge3A : i32
      %convert_element_type3A = arith.extui %ge3A_57 : i1 to i32
      %cond3A = arith.constant 0 : i32
      %cond3A_58 = arith.cmpi ne, %convert_element_type3A, %cond3A : i32
      scf.if %cond3A_58 {
        %sub3A = arith.constant 2 : i32
        %sub3A_154 = arith.subi %add3A_49, %sub3A : i32
        %mul3A_155 = arith.constant 4 : i32
        %mul3A_156 = arith.muli %sub3A_154, %mul3A_155 : i32
        %add3A_157 = arith.addi %mul3A_2, %mul3A_156 : i32
        %dma_wait3A_158 = arith.constant 0 : i32
        %dma_wait3A_159 = tpu.memref_slice %arg4[%add3A_157, %dma_wait3A_158] : memref<16384x4096xf32, #tpu.memory_space<hbm>> -> memref<4x4096xf32, #tpu.memory_space<hbm>>
        %dma_wait3A_160 = arith.constant 0 : i32
        %dma_wait3A_161 = tpu.memref_slice %arg4[%add3A_157, %dma_wait3A_160] : memref<16384x4096xf32, #tpu.memory_space<hbm>> -> memref<4x4096xf32, #tpu.memory_space<hbm>>
        tpu.wait_dma2 semaphore(%arg16 : memref<!tpu.dma_semaphore, #tpu.memory_space<semaphore_mem>>) src(%arg10 : memref<4x4096xf32, #tpu.memory_space<vmem>>) dst(%dma_wait3A_161 : memref<4x4096xf32, #tpu.memory_space<hbm>>)
      } else {
      }
      %mul3A_59 = arith.constant 4 : i32
      %mul3A_60 = arith.muli %add3A_49, %mul3A_59 : i32
      %add3A_61 = arith.addi %mul3A_2, %mul3A_60 : i32
      %dma_start3A_62 = arith.constant 0 : i32
      %dma_start3A_63 = tpu.memref_slice %arg4[%add3A_61, %dma_start3A_62] : memref<16384x4096xf32, #tpu.memory_space<hbm>> -> memref<4x4096xf32, #tpu.memory_space<hbm>>
      %dma_start3A_64 = arith.constant 0 : i32
      %dma_start3A_65 = tpu.memref_slice %arg4[%add3A_61, %dma_start3A_64] : memref<16384x4096xf32, #tpu.memory_space<hbm>> -> memref<4x4096xf32, #tpu.memory_space<hbm>>
      tpu.enqueue_dma source(%arg6 : memref<4x4096xf32, #tpu.memory_space<vmem>>) target(%dma_start3A_65 : memref<4x4096xf32, #tpu.memory_space<hbm>>) target_semaphore(%arg16 : memref<!tpu.dma_semaphore, #tpu.memory_space<semaphore_mem>>)
      %lt3A = arith.constant 31 : i32
      %lt3A_66 = arith.cmpi slt, %add3A_45, %lt3A : i32
      %convert_element_type3A_67 = arith.extui %lt3A_66 : i1 to i32
      %cond3A_68 = arith.constant 0 : i32
      %cond3A_69 = arith.cmpi ne, %convert_element_type3A_67, %cond3A_68 : i32
      scf.if %cond3A_69 {
        %add3A_154 = arith.constant 4 : i32
        %add3A_155 = arith.addi %add3A_49, %add3A_154 : i32
        %mul3A_156 = arith.constant 4 : i32
        %mul3A_157 = arith.muli %add3A_155, %mul3A_156 : i32
        %add3A_158 = arith.addi %mul3A_2, %mul3A_157 : i32
        %dma_start3A_159 = arith.constant 0 : i32
        %dma_start3A_160 = tpu.memref_slice %arg2[%add3A_158, %dma_start3A_159] : memref<16384x4096xf32, #tpu.memory_space<hbm>> -> memref<4x4096xf32, #tpu.memory_space<hbm>>
        %dma_start3A_161 = arith.constant 0 : i32
        %dma_start3A_162 = tpu.memref_slice %arg2[%add3A_158, %dma_start3A_161] : memref<16384x4096xf32, #tpu.memory_space<hbm>> -> memref<4x4096xf32, #tpu.memory_space<hbm>>
        tpu.enqueue_dma source(%dma_start3A_162 : memref<4x4096xf32, #tpu.memory_space<hbm>>) target(%arg6 : memref<4x4096xf32, #tpu.memory_space<vmem>>) target_semaphore(%arg12 : memref<!tpu.dma_semaphore, #tpu.memory_space<semaphore_mem>>)
      } else {
      }
      %mul3A_70 = arith.constant 4 : i32
      %mul3A_71 = arith.muli %add3A_45, %mul3A_70 : i32
      %add3A_72 = arith.constant 1 : i32
      %add3A_73 = arith.addi %mul3A_71, %add3A_72 : i32
      %mul3A_74 = arith.constant 4 : i32
      %mul3A_75 = arith.muli %add3A_73, %mul3A_74 : i32
      %add3A_76 = arith.addi %mul3A_2, %mul3A_75 : i32
      %dma_wait3A_77 = arith.constant 0 : i32
      %dma_wait3A_78 = tpu.memref_slice %arg2[%add3A_76, %dma_wait3A_77] : memref<16384x4096xf32, #tpu.memory_space<hbm>> -> memref<4x4096xf32, #tpu.memory_space<hbm>>
      %dma_wait3A_79 = arith.constant 0 : i32
      %dma_wait3A_80 = tpu.memref_slice %arg2[%add3A_76, %dma_wait3A_79] : memref<16384x4096xf32, #tpu.memory_space<hbm>> -> memref<4x4096xf32, #tpu.memory_space<hbm>>
      tpu.wait_dma2 semaphore(%arg13 : memref<!tpu.dma_semaphore, #tpu.memory_space<semaphore_mem>>) src(%dma_wait3A_80 : memref<4x4096xf32, #tpu.memory_space<hbm>>) dst(%arg7 : memref<4x4096xf32, #tpu.memory_space<vmem>>)
      %ge3A_81 = arith.constant 2 : i32
      %ge3A_82 = arith.cmpi sge, %add3A_73, %ge3A_81 : i32
      %convert_element_type3A_83 = arith.extui %ge3A_82 : i1 to i32
      %cond3A_84 = arith.constant 0 : i32
      %cond3A_85 = arith.cmpi ne, %convert_element_type3A_83, %cond3A_84 : i32
      scf.if %cond3A_85 {
        %sub3A = arith.constant 2 : i32
        %sub3A_154 = arith.subi %add3A_73, %sub3A : i32
        %mul3A_155 = arith.constant 4 : i32
        %mul3A_156 = arith.muli %sub3A_154, %mul3A_155 : i32
        %add3A_157 = arith.addi %mul3A_2, %mul3A_156 : i32
        %dma_wait3A_158 = arith.constant 0 : i32
        %dma_wait3A_159 = tpu.memref_slice %arg4[%add3A_157, %dma_wait3A_158] : memref<16384x4096xf32, #tpu.memory_space<hbm>> -> memref<4x4096xf32, #tpu.memory_space<hbm>>
        %dma_wait3A_160 = arith.constant 0 : i32
        %dma_wait3A_161 = tpu.memref_slice %arg4[%add3A_157, %dma_wait3A_160] : memref<16384x4096xf32, #tpu.memory_space<hbm>> -> memref<4x4096xf32, #tpu.memory_space<hbm>>
        tpu.wait_dma2 semaphore(%arg17 : memref<!tpu.dma_semaphore, #tpu.memory_space<semaphore_mem>>) src(%arg11 : memref<4x4096xf32, #tpu.memory_space<vmem>>) dst(%dma_wait3A_161 : memref<4x4096xf32, #tpu.memory_space<hbm>>)
      } else {
      }
      %mul3A_86 = arith.constant 4 : i32
      %mul3A_87 = arith.muli %add3A_73, %mul3A_86 : i32
      %add3A_88 = arith.addi %mul3A_2, %mul3A_87 : i32
      %dma_start3A_89 = arith.constant 0 : i32
      %dma_start3A_90 = tpu.memref_slice %arg4[%add3A_88, %dma_start3A_89] : memref<16384x4096xf32, #tpu.memory_space<hbm>> -> memref<4x4096xf32, #tpu.memory_space<hbm>>
      %dma_start3A_91 = arith.constant 0 : i32
      %dma_start3A_92 = tpu.memref_slice %arg4[%add3A_88, %dma_start3A_91] : memref<16384x4096xf32, #tpu.memory_space<hbm>> -> memref<4x4096xf32, #tpu.memory_space<hbm>>
      tpu.enqueue_dma source(%arg7 : memref<4x4096xf32, #tpu.memory_space<vmem>>) target(%dma_start3A_92 : memref<4x4096xf32, #tpu.memory_space<hbm>>) target_semaphore(%arg17 : memref<!tpu.dma_semaphore, #tpu.memory_space<semaphore_mem>>)
      %lt3A_93 = arith.constant 31 : i32
      %lt3A_94 = arith.cmpi slt, %add3A_45, %lt3A_93 : i32
      %convert_element_type3A_95 = arith.extui %lt3A_94 : i1 to i32
      %cond3A_96 = arith.constant 0 : i32
      %cond3A_97 = arith.cmpi ne, %convert_element_type3A_95, %cond3A_96 : i32
      scf.if %cond3A_97 {
        %add3A_154 = arith.constant 4 : i32
        %add3A_155 = arith.addi %add3A_73, %add3A_154 : i32
        %mul3A_156 = arith.constant 4 : i32
        %mul3A_157 = arith.muli %add3A_155, %mul3A_156 : i32
        %add3A_158 = arith.addi %mul3A_2, %mul3A_157 : i32
        %dma_start3A_159 = arith.constant 0 : i32
        %dma_start3A_160 = tpu.memref_slice %arg2[%add3A_158, %dma_start3A_159] : memref<16384x4096xf32, #tpu.memory_space<hbm>> -> memref<4x4096xf32, #tpu.memory_space<hbm>>
        %dma_start3A_161 = arith.constant 0 : i32
        %dma_start3A_162 = tpu.memref_slice %arg2[%add3A_158, %dma_start3A_161] : memref<16384x4096xf32, #tpu.memory_space<hbm>> -> memref<4x4096xf32, #tpu.memory_space<hbm>>
        tpu.enqueue_dma source(%dma_start3A_162 : memref<4x4096xf32, #tpu.memory_space<hbm>>) target(%arg7 : memref<4x4096xf32, #tpu.memory_space<vmem>>) target_semaphore(%arg13 : memref<!tpu.dma_semaphore, #tpu.memory_space<semaphore_mem>>)
      } else {
      }
      %mul3A_98 = arith.constant 4 : i32
      %mul3A_99 = arith.muli %add3A_45, %mul3A_98 : i32
      %add3A_100 = arith.constant 2 : i32
      %add3A_101 = arith.addi %mul3A_99, %add3A_100 : i32
      %mul3A_102 = arith.constant 4 : i32
      %mul3A_103 = arith.muli %add3A_101, %mul3A_102 : i32
      %add3A_104 = arith.addi %mul3A_2, %mul3A_103 : i32
      %dma_wait3A_105 = arith.constant 0 : i32
      %dma_wait3A_106 = tpu.memref_slice %arg2[%add3A_104, %dma_wait3A_105] : memref<16384x4096xf32, #tpu.memory_space<hbm>> -> memref<4x4096xf32, #tpu.memory_space<hbm>>
      %dma_wait3A_107 = arith.constant 0 : i32
      %dma_wait3A_108 = tpu.memref_slice %arg2[%add3A_104, %dma_wait3A_107] : memref<16384x4096xf32, #tpu.memory_space<hbm>> -> memref<4x4096xf32, #tpu.memory_space<hbm>>
      tpu.wait_dma2 semaphore(%arg14 : memref<!tpu.dma_semaphore, #tpu.memory_space<semaphore_mem>>) src(%dma_wait3A_108 : memref<4x4096xf32, #tpu.memory_space<hbm>>) dst(%arg8 : memref<4x4096xf32, #tpu.memory_space<vmem>>)
      %ge3A_109 = arith.constant 2 : i32
      %ge3A_110 = arith.cmpi sge, %add3A_101, %ge3A_109 : i32
      %convert_element_type3A_111 = arith.extui %ge3A_110 : i1 to i32
      %cond3A_112 = arith.constant 0 : i32
      %cond3A_113 = arith.cmpi ne, %convert_element_type3A_111, %cond3A_112 : i32
      scf.if %cond3A_113 {
        %sub3A = arith.constant 2 : i32
        %sub3A_154 = arith.subi %add3A_101, %sub3A : i32
        %mul3A_155 = arith.constant 4 : i32
        %mul3A_156 = arith.muli %sub3A_154, %mul3A_155 : i32
        %add3A_157 = arith.addi %mul3A_2, %mul3A_156 : i32
        %dma_wait3A_158 = arith.constant 0 : i32
        %dma_wait3A_159 = tpu.memref_slice %arg4[%add3A_157, %dma_wait3A_158] : memref<16384x4096xf32, #tpu.memory_space<hbm>> -> memref<4x4096xf32, #tpu.memory_space<hbm>>
        %dma_wait3A_160 = arith.constant 0 : i32
        %dma_wait3A_161 = tpu.memref_slice %arg4[%add3A_157, %dma_wait3A_160] : memref<16384x4096xf32, #tpu.memory_space<hbm>> -> memref<4x4096xf32, #tpu.memory_space<hbm>>
        tpu.wait_dma2 semaphore(%arg16 : memref<!tpu.dma_semaphore, #tpu.memory_space<semaphore_mem>>) src(%arg10 : memref<4x4096xf32, #tpu.memory_space<vmem>>) dst(%dma_wait3A_161 : memref<4x4096xf32, #tpu.memory_space<hbm>>)
      } else {
      }
      %mul3A_114 = arith.constant 4 : i32
      %mul3A_115 = arith.muli %add3A_101, %mul3A_114 : i32
      %add3A_116 = arith.addi %mul3A_2, %mul3A_115 : i32
      %dma_start3A_117 = arith.constant 0 : i32
      %dma_start3A_118 = tpu.memref_slice %arg4[%add3A_116, %dma_start3A_117] : memref<16384x4096xf32, #tpu.memory_space<hbm>> -> memref<4x4096xf32, #tpu.memory_space<hbm>>
      %dma_start3A_119 = arith.constant 0 : i32
      %dma_start3A_120 = tpu.memref_slice %arg4[%add3A_116, %dma_start3A_119] : memref<16384x4096xf32, #tpu.memory_space<hbm>> -> memref<4x4096xf32, #tpu.memory_space<hbm>>
      tpu.enqueue_dma source(%arg8 : memref<4x4096xf32, #tpu.memory_space<vmem>>) target(%dma_start3A_120 : memref<4x4096xf32, #tpu.memory_space<hbm>>) target_semaphore(%arg16 : memref<!tpu.dma_semaphore, #tpu.memory_space<semaphore_mem>>)
      %lt3A_121 = arith.constant 31 : i32
      %lt3A_122 = arith.cmpi slt, %add3A_45, %lt3A_121 : i32
      %convert_element_type3A_123 = arith.extui %lt3A_122 : i1 to i32
      %cond3A_124 = arith.constant 0 : i32
      %cond3A_125 = arith.cmpi ne, %convert_element_type3A_123, %cond3A_124 : i32
      scf.if %cond3A_125 {
        %add3A_154 = arith.constant 4 : i32
        %add3A_155 = arith.addi %add3A_101, %add3A_154 : i32
        %mul3A_156 = arith.constant 4 : i32
        %mul3A_157 = arith.muli %add3A_155, %mul3A_156 : i32
        %add3A_158 = arith.addi %mul3A_2, %mul3A_157 : i32
        %dma_start3A_159 = arith.constant 0 : i32
        %dma_start3A_160 = tpu.memref_slice %arg2[%add3A_158, %dma_start3A_159] : memref<16384x4096xf32, #tpu.memory_space<hbm>> -> memref<4x4096xf32, #tpu.memory_space<hbm>>
        %dma_start3A_161 = arith.constant 0 : i32
        %dma_start3A_162 = tpu.memref_slice %arg2[%add3A_158, %dma_start3A_161] : memref<16384x4096xf32, #tpu.memory_space<hbm>> -> memref<4x4096xf32, #tpu.memory_space<hbm>>
        tpu.enqueue_dma source(%dma_start3A_162 : memref<4x4096xf32, #tpu.memory_space<hbm>>) target(%arg8 : memref<4x4096xf32, #tpu.memory_space<vmem>>) target_semaphore(%arg14 : memref<!tpu.dma_semaphore, #tpu.memory_space<semaphore_mem>>)
      } else {
      }
      %mul3A_126 = arith.constant 4 : i32
      %mul3A_127 = arith.muli %add3A_45, %mul3A_126 : i32
      %add3A_128 = arith.constant 3 : i32
      %add3A_129 = arith.addi %mul3A_127, %add3A_128 : i32
      %mul3A_130 = arith.constant 4 : i32
      %mul3A_131 = arith.muli %add3A_129, %mul3A_130 : i32
      %add3A_132 = arith.addi %mul3A_2, %mul3A_131 : i32
      %dma_wait3A_133 = arith.constant 0 : i32
      %dma_wait3A_134 = tpu.memref_slice %arg2[%add3A_132, %dma_wait3A_133] : memref<16384x4096xf32, #tpu.memory_space<hbm>> -> memref<4x4096xf32, #tpu.memory_space<hbm>>
      %dma_wait3A_135 = arith.constant 0 : i32
      %dma_wait3A_136 = tpu.memref_slice %arg2[%add3A_132, %dma_wait3A_135] : memref<16384x4096xf32, #tpu.memory_space<hbm>> -> memref<4x4096xf32, #tpu.memory_space<hbm>>
      tpu.wait_dma2 semaphore(%arg15 : memref<!tpu.dma_semaphore, #tpu.memory_space<semaphore_mem>>) src(%dma_wait3A_136 : memref<4x4096xf32, #tpu.memory_space<hbm>>) dst(%arg9 : memref<4x4096xf32, #tpu.memory_space<vmem>>)
      %ge3A_137 = arith.constant 2 : i32
      %ge3A_138 = arith.cmpi sge, %add3A_129, %ge3A_137 : i32
      %convert_element_type3A_139 = arith.extui %ge3A_138 : i1 to i32
      %cond3A_140 = arith.constant 0 : i32
      %cond3A_141 = arith.cmpi ne, %convert_element_type3A_139, %cond3A_140 : i32
      scf.if %cond3A_141 {
        %sub3A = arith.constant 2 : i32
        %sub3A_154 = arith.subi %add3A_129, %sub3A : i32
        %mul3A_155 = arith.constant 4 : i32
        %mul3A_156 = arith.muli %sub3A_154, %mul3A_155 : i32
        %add3A_157 = arith.addi %mul3A_2, %mul3A_156 : i32
        %dma_wait3A_158 = arith.constant 0 : i32
        %dma_wait3A_159 = tpu.memref_slice %arg4[%add3A_157, %dma_wait3A_158] : memref<16384x4096xf32, #tpu.memory_space<hbm>> -> memref<4x4096xf32, #tpu.memory_space<hbm>>
        %dma_wait3A_160 = arith.constant 0 : i32
        %dma_wait3A_161 = tpu.memref_slice %arg4[%add3A_157, %dma_wait3A_160] : memref<16384x4096xf32, #tpu.memory_space<hbm>> -> memref<4x4096xf32, #tpu.memory_space<hbm>>
        tpu.wait_dma2 semaphore(%arg17 : memref<!tpu.dma_semaphore, #tpu.memory_space<semaphore_mem>>) src(%arg11 : memref<4x4096xf32, #tpu.memory_space<vmem>>) dst(%dma_wait3A_161 : memref<4x4096xf32, #tpu.memory_space<hbm>>)
      } else {
      }
      %mul3A_142 = arith.constant 4 : i32
      %mul3A_143 = arith.muli %add3A_129, %mul3A_142 : i32
      %add3A_144 = arith.addi %mul3A_2, %mul3A_143 : i32
      %dma_start3A_145 = arith.constant 0 : i32
      %dma_start3A_146 = tpu.memref_slice %arg4[%add3A_144, %dma_start3A_145] : memref<16384x4096xf32, #tpu.memory_space<hbm>> -> memref<4x4096xf32, #tpu.memory_space<hbm>>
      %dma_start3A_147 = arith.constant 0 : i32
      %dma_start3A_148 = tpu.memref_slice %arg4[%add3A_144, %dma_start3A_147] : memref<16384x4096xf32, #tpu.memory_space<hbm>> -> memref<4x4096xf32, #tpu.memory_space<hbm>>
      tpu.enqueue_dma source(%arg9 : memref<4x4096xf32, #tpu.memory_space<vmem>>) target(%dma_start3A_148 : memref<4x4096xf32, #tpu.memory_space<hbm>>) target_semaphore(%arg17 : memref<!tpu.dma_semaphore, #tpu.memory_space<semaphore_mem>>)
      %lt3A_149 = arith.constant 31 : i32
      %lt3A_150 = arith.cmpi slt, %add3A_45, %lt3A_149 : i32
      %convert_element_type3A_151 = arith.extui %lt3A_150 : i1 to i32
      %cond3A_152 = arith.constant 0 : i32
      %cond3A_153 = arith.cmpi ne, %convert_element_type3A_151, %cond3A_152 : i32
      scf.if %cond3A_153 {
        %add3A_154 = arith.constant 4 : i32
        %add3A_155 = arith.addi %add3A_129, %add3A_154 : i32
        %mul3A_156 = arith.constant 4 : i32
        %mul3A_157 = arith.muli %add3A_155, %mul3A_156 : i32
        %add3A_158 = arith.addi %mul3A_2, %mul3A_157 : i32
        %dma_start3A_159 = arith.constant 0 : i32
        %dma_start3A_160 = tpu.memref_slice %arg2[%add3A_158, %dma_start3A_159] : memref<16384x4096xf32, #tpu.memory_space<hbm>> -> memref<4x4096xf32, #tpu.memory_space<hbm>>
        %dma_start3A_161 = arith.constant 0 : i32
        %dma_start3A_162 = tpu.memref_slice %arg2[%add3A_158, %dma_start3A_161] : memref<16384x4096xf32, #tpu.memory_space<hbm>> -> memref<4x4096xf32, #tpu.memory_space<hbm>>
        tpu.enqueue_dma source(%dma_start3A_162 : memref<4x4096xf32, #tpu.memory_space<hbm>>) target(%arg9 : memref<4x4096xf32, #tpu.memory_space<vmem>>) target_semaphore(%arg15 : memref<!tpu.dma_semaphore, #tpu.memory_space<semaphore_mem>>)
      } else {
      }
    }
    %scan3A_29 = arith.constant 32 : i32
    %add3A_30 = arith.constant 504 : i32
    %add3A_31 = arith.addi %mul3A_2, %add3A_30 : i32
    %dma_wait3A = arith.constant 0 : i32
    %dma_wait3A_32 = tpu.memref_slice %arg4[%add3A_31, %dma_wait3A] : memref<16384x4096xf32, #tpu.memory_space<hbm>> -> memref<4x4096xf32, #tpu.memory_space<hbm>>
    %dma_wait3A_33 = arith.constant 0 : i32
    %dma_wait3A_34 = tpu.memref_slice %arg4[%add3A_31, %dma_wait3A_33] : memref<16384x4096xf32, #tpu.memory_space<hbm>> -> memref<4x4096xf32, #tpu.memory_space<hbm>>
    tpu.wait_dma2 semaphore(%arg16 : memref<!tpu.dma_semaphore, #tpu.memory_space<semaphore_mem>>) src(%arg10 : memref<4x4096xf32, #tpu.memory_space<vmem>>) dst(%dma_wait3A_34 : memref<4x4096xf32, #tpu.memory_space<hbm>>)
    %add3A_35 = arith.constant 508 : i32
    %add3A_36 = arith.addi %mul3A_2, %add3A_35 : i32
    %dma_wait3A_37 = arith.constant 0 : i32
    %dma_wait3A_38 = tpu.memref_slice %arg4[%add3A_36, %dma_wait3A_37] : memref<16384x4096xf32, #tpu.memory_space<hbm>> -> memref<4x4096xf32, #tpu.memory_space<hbm>>
    %dma_wait3A_39 = arith.constant 0 : i32
    %dma_wait3A_40 = tpu.memref_slice %arg4[%add3A_36, %dma_wait3A_39] : memref<16384x4096xf32, #tpu.memory_space<hbm>> -> memref<4x4096xf32, #tpu.memory_space<hbm>>
    tpu.wait_dma2 semaphore(%arg17 : memref<!tpu.dma_semaphore, #tpu.memory_space<semaphore_mem>>) src(%arg11 : memref<4x4096xf32, #tpu.memory_space<vmem>>) dst(%dma_wait3A_40 : memref<4x4096xf32, #tpu.memory_space<hbm>>)
    return
  }
}

</mosaic_0001>

<sc_bundles>
// kernel: kernel.3.cloned.1.call-start
scs
__scs_entry_jumppad:
0x0: {  	(pc) =	sbr.rel $0x88, $3  }
0x1: {  	(tag) =	ssettag $0x0;
	lr =	simm.s32 $0x1  }
0x2: {  	[smem:$0x3F9F] =	sst lr;
	_ =	strace $0xD0000000  }
0x3: {  	_ = 	snop  }
0x4: {  	_ = 	snop  }
0x5: {  	_ = 	snop  }
0x6: {  	_ = 	snop  }
0x7: {  	_ = 	snop  }
__scs_overlays_trampoline_lowered:
0x8: {  	[smem:$0x3FAE] =	sst s0  }
0x9: {  	[smem:$0x3FAF] =	sst s1  }
0xa: {  	[smem:$0x3FB0] =	sst s2  }
0xb: {  	[smem:$0x3FB1] =	sst s3  }
0xc: {  	[smem:$0x3FB2] =	sst s4  }
0xd: {  	[smem:$0x3FB3] =	sst s5  }
0xe: {  	[smem:$0x3FB4] =	sst s6  }
0xf: {  	[smem:$0x3FB5] =	sst s7  }
0x10: {  	[smem:$0x3FB6] =	sst s8  }
0x11: {  	[smem:$0x3FB7] =	sst s9;
	s0 =	simm.s32 @!p0 $0x0  }
0x12: {  	s1 =	sld [smem:$0x3F9D];
	s0 =	simm.s32 @p0 $0x1  }
0x13: {  	[smem:$0x3FB8] =	sst s0;
	s0 =	simm.s32 @!p1 $0x0  }
0x14: {  	s2 =	sld [smem:$0x3F9C];
	s0 =	simm.s32 @p1 $0x1  }
0x15: {  	[smem:$0x3FB9] =	sst s0;
	s0 =	simm.s32 @!p2 $0x0  }
0x16: {  	s3 =	sld [smem:$0x3FDB];
	s0 =	simm.s32 @p2 $0x1  }
0x17: {  	s4 =	simm.s32 $0x1BF5;
	[smem:$0x3FBB] =	sst s0  }
0x18: {  	s0 =	sld [smem:$0x3F9E];
	_ =	swait.ge [sflag:s4], $0x0  }
0x19: {  	s7 =	sld [smem:$0x3F9F]  }
0x1a: {  	s8 =	sadd.s32 $0xFFFFE003, lr  }
0x1b: {  	s9 =	sadd.s32 $0xFFFFFEF7, lr;
	s5 =	simm.s32 $0xFFFFFFFF;
	p2 =	slt.u32 s8, $0xFFFFF086  }
0x1c: {  	p1 =	slt.u32 s9, $0xF7A;
	s5 =	simm.s32 @!p2 $0x0  }
0x1d: {  	s5 =	simm.s32 @p1 $0x1;
	p0 =	seq.s32 s7, s2  }
0x1e: {  	s7 =	smul.u32 @!p0 $0xF7A, s2;
	p2 =	seq.s32 @!p0 s5, $0x0  }
0x1f: {  	s9 =	smul.u32 $0xF7A, s1;
	s8 =	simm.s32 @!p0 $0x1BF5;
	p2 =	por !p2, p0  }
0x20: {  	[sflag:s8] =	ssyncset.s32 @!p0 $0xFFFFF086;
	s6 =	sadd.s32 @!p0 s3, s7;
	s7 =	simm.s32 @!p0 $0x108  }
0x21: {  	s3 =	sadd.s32 s3, s9;
	s6 =	sadd.s32 @!p0 $0x88, s6;
	s7 =	simm.s32 @p2 $0x1082  }
0x22: {  	[simem:s7], [sflag:s8] =	dma.local @!p0 [hbm:s6], $0xF7A  }
0x23: {  	s9 =	sor.u32 $0xD0000000, s2;
	s6 =	simm.s32 $0x108;
	_ =	swait.ge @!p0 [sflag:s8], $0x0  }
0x24: {  	s3 =	sadd.s32 $0x88, s3;
	s6 =	simm.s32 @!p1 $0x1082;
	[sflag:s4] =	ssyncset.s32 $0xFFFFF086  }
0x25: {  	[simem:s6], [sflag:s4] =	dma.local [hbm:s3], $0xF7A  }
0x26: {  	[smem:$0x3F9F] =	sst s1;
	(tag) =	ssettag s2;
	_ =	strace s9  }
0x27: {  	s1 =	sld [smem:$0x3FAF]  }
0x28: {  	s2 =	sld [smem:$0x3FB0]  }
0x29: {  	s4 =	sld [smem:$0x3FB2]  }
0x2a: {  	p0 =	seq.s32 s5, $0x0;
	s5 =	sld [smem:$0x3FB3]  }
0x2b: {  	s6 =	sld [smem:$0x3FB4]  }
0x2c: {  	s7 =	sld [smem:$0x3FB5]  }
0x2d: {  	s3 =	simm.s32 $0x108;
	s8 =	sld [smem:$0x3FB6]  }
0x2e: {  	s3 =	simm.s32 @!p0 $0x1082;
	s9 =	sld [smem:$0x3FB7]  }
0x2f: {  	lr =	sadd.s32 s0, s3;
	s0 =	sld [smem:$0x3FAE]  }
0x30: {  	s3 =	sld [smem:$0x3FB1]  }
0x31: {  	[smem:$0x3FBA] =	sst s10  }
0x32: {  	s10 =	sld [smem:$0x3FB8];
	_ =	sdelay $0x3  }
0x33: {  	p0 =	seq.s32 s10, $0x1;
	s10 =	sld [smem:$0x3FBA];
	_ =	sdelay $0x3  }
0x34: {  	[smem:$0x3FBA] =	sst s10  }
0x35: {  	s10 =	sld [smem:$0x3FB9];
	_ =	sdelay $0x3  }
0x36: {  	p1 =	seq.s32 s10, $0x1;
	s10 =	sld [smem:$0x3FBA];
	_ =	sdelay $0x3  }
0x37: {  	[smem:$0x3FBA] =	sst s10  }
0x38: {  	s10 =	sld [smem:$0x3FBB]  }
0x39: {  	_ = 	snop;
	(pc) =	sbr.ind lr, $3  }
0x3a: {  	_ = 	snop  }
0x3b: {  	_ = 	snop  }
0x3c: {  	p2 =	seq.s32 s10, $0x1;
	s10 =	sld [smem:$0x3FBA]  }
0x3d: {  	_ =	shalt  }
0x3e: {  	_ =	shalt  }
0x3f: {  	_ =	shalt  }
0x40: {  	_ =	shalt  }
0x41: {  	_ =	shalt  }
0x42: {  	_ =	shalt  }
0x43: {  	_ =	shalt  }
0x44: {  	_ =	shalt  }
0x45: {  	_ =	shalt  }
0x46: {  	_ =	shalt  }
0x47: {  	_ =	shalt  }
0x48: {  	_ =	shalt  }
0x49: {  	_ =	shalt  }
0x4a: {  	_ =	shalt  }
0x4b: {  	_ =	shalt  }
0x4c: {  	_ =	shalt  }
0x4d: {  	_ =	shalt  }
0x4e: {  	_ =	shalt  }
0x4f: {  	_ =	shalt  }
0x50: {  	_ =	shalt  }
0x51: {  	_ =	shalt  }
0x52: {  	_ =	shalt  }
0x53: {  	_ =	shalt  }
0x54: {  	_ =	shalt  }
0x55: {  	_ =	shalt  }
0x56: {  	_ =	shalt  }
0x57: {  	_ =	shalt  }
0x58: {  	_ =	shalt  }
0x59: {  	_ =	shalt  }
0x5a: {  	_ =	shalt  }
0x5b: {  	_ =	shalt  }
0x5c: {  	_ =	shalt  }
0x5d: {  	_ =	shalt  }
0x5e: {  	_ =	shalt  }
0x5f: {  	_ =	shalt  }
0x60: {  	_ =	shalt  }
0x61: {  	_ =	shalt  }
0x62: {  	_ =	shalt  }
0x63: {  	_ =	shalt  }
0x64: {  	_ =	shalt  }
0x65: {  	_ =	shalt  }
0x66: {  	_ =	shalt  }
0x67: {  	_ =	shalt  }
0x68: {  	_ =	shalt  }
0x69: {  	_ =	shalt  }
0x6a: {  	_ =	shalt  }
0x6b: {  	_ =	shalt  }
0x6c: {  	_ =	shalt  }
0x6d: {  	_ =	shalt  }
0x6e: {  	_ =	shalt  }
0x6f: {  	_ =	shalt  }
0x70: {  	_ =	shalt  }
0x71: {  	_ =	shalt  }
0x72: {  	_ =	shalt  }
0x73: {  	_ =	shalt  }
0x74: {  	_ =	shalt  }
0x75: {  	_ =	shalt  }
0x76: {  	_ =	shalt  }
0x77: {  	_ =	shalt  }
0x78: {  	_ =	shalt  }
0x79: {  	_ =	shalt  }
0x7a: {  	_ =	shalt  }
0x7b: {  	_ =	shalt  }
0x7c: {  	_ =	shalt  }
0x7d: {  	_ =	shalt  }
0x7e: {  	_ =	shalt  }
0x7f: {  	_ =	shalt  }
0x80: {  	_ =	shalt  }
0x81: {  	_ =	shalt  }
0x82: {  	_ =	shalt  }
0x83: {  	_ =	shalt  }
0x84: {  	_ =	shalt  }
0x85: {  	_ =	shalt  }
0x86: {  	_ =	shalt  }
0x87: {  	_ =	shalt  }
.Lfunc_end0:
.L_simem_size_0:
called_computation_lowered:
.L_overlay_start_0:
0x88: {  	s2 =	sld [smem:$0x3FD9]  }
0x89: {  	s3 =	sld [smem:$0x3FFE];
	_ =	sdelay $0x1  }
0x8a: {  	s1 =	srdreg.scid  }
0x8b: {  	s0 =	sand.u32 $0x1, s1  }
0x8c: {  	s18 =	sshll.u32 s0, $0xA;
	s2 =	sadd.s32 s3, s2  }
0x8d: {  	s2 =	sadd.s32 s2, s18  }
0x8e: {  	[smem:$0x3FC6] =	sst s2  }
0x8f: {  	_ = 	snop  }
0x90: {  	s2 =	sld [smem:$0x3FC9]  }
0x91: {  	s19 =	sld [smem:$0x3FC8]  }
0x92: {  	s4 =	sld [smem:$0x3FD0];
	(tm) =	ssettm $0x1  }
0x93: {  	s5 =	sld [smem:$0x3FFB];
	_ =	sdelay $0x3  }
0x94: {  	_ =	strace s5  }
0x95: {  	s5 =	sld [smem:$0x3FFC];
	_ =	sdelay $0x3  }
0x96: {  	_ =	strace s5  }
0x97: {  	s5 =	sld [smem:$0x3FFD];
	_ =	sdelay $0x3  }
0x98: {  	_ =	strace s5  }
0x99: {  	_ =	strace $0x8FFFFFFF  }
0x9a: {  	s20 =	sld [smem:$0x3FDB];
	_ =	sdelay $0x1  }
0x9b: {  	s6 =	simm.s32 $_scs_section_size  }
0x9c: {  	s7 =	simm.s32 $_size__tile_overlayer_lowered;
	s8 =	simm.s32 $_tile_overlayer_lowered  }
0x9d: {  	s23 =	simm.s32 $0x1BFF;
	s22 =	sshll.u32 s8, $0x1;
	s5 =	sadd.s32 s6, s20  }
0x9e: {  	s9 =	simm.s32 $0x0;
	s21 =	sshll.u32 s7, $0x1;
	s7 =	sadd.s32 s22, s5  }
0x9f: {  	[timem:s9], [sflag:s23] =	dma.local [hbm:s7], s21  }
0xa0: {  	_ =	swait.ge [sflag:s23], s21  }
0xa1: {  	s6 =	ssub.s32 $0x0, s21;
	[sflag:s23] =	ssyncset.done $0x0  }
0xa2: {  	[sflag:s23] =	ssyncadd.s32 s6;
	_ =	sdelay $0x1  }
0xa3: {  	s24 =	simm.s32 $0x1B8B  }
0xa4: {  	_ =	swait.ge [sflag:s24], $0x1  }
0xa5: {  	[sflag:s24] =	ssyncset.done $0x0  }
0xa6: {  	s25 =	simm.s32 $0x1B8E;
	[sflag:s24] =	ssyncadd.s32 $0xFFFFFFFF  }
0xa7: {  	s26 =	simm.s32 $execute0_lowered;
	[smem:$0x3FD2] =	sst s25  }
0xa8: {  	s6 =	sshll.u32 s26, $0x1;
	_ =	strace $0x80000046;
	[dreg:$0x1] =	wrdreg $0xFFFFFFFF  }
0xa9: {  	s28 =	simm.s32 $_size_execute0_lowered;
	s5 =	sadd.s32 s5, s6;
	[dreg:$0x0] =	wrdreg $0x0  }
0xaa: {  	s6 =	sshll.u32 s28, $0x1;
	[dreg:$0x2] =	wrdreg s5  }
0xab: {  	[dreg:$0x3] =	wrdreg s6  }
0xac: {  	[dreg:$0x4] =	wrdreg $0xC0  }
0xad: {  	_ =	task [dreg:s9], $0x5FFFF  }
0xae: {  	[dreg:$0x1] =	wrdreg $0xFFFFFFFF  }
0xaf: {  	[dreg:$0x0] =	wrdreg $0x60  }
0xb0: {  	[dreg:$0x2] =	wrdreg s2  }
0xb1: {  	[dreg:$0x3] =	wrdreg s19  }
0xb2: {  	[dreg:$0x4] =	wrdreg s4  }
0xb3: {  	[dreg:$0x5] =	wrdreg $0x9  }
0xb4: {  	_ =	task.clear_ibuf [dreg:s9], $0x6FFFF;
	_ =	strace $0x90000046  }
0xb5: {  	s29 =	simm.s32 $0x9;
	_ =	strace $0x80000048  }
0xb6: {  	_ =	swait.ge [sflag:s29], $0x1  }
0xb7: {  	[sflag:s29] =	ssyncadd.s32 $0xFFFFFFFF  }
0xb8: {  	_ =	strace $0x90000048  }
0xb9: {  	_ =	sfence  }
0xba: {  	s30 =	sld [smem:$0x0];
	_ =	sdelay $0x2  }
0xbb: {  	s31 =	sshll.u32 s1, $0xD;
	s1 =	sshrl.u32 s1, $0x2  }
0xbc: {  	s3 =	sand.u32 $0x4000, s31;
	s1 =	sadd.s32 s1, s30  }
0xbd: {  	s0 =	sor.u32 s3, s0;
	s1 =	sshll.u32 s1, $0x11  }
0xbe: {  	s0 =	sor.u32 s1, s0  }
0xbf: {  	s0 =	sadd.s32 $0x8F2B, s0  }
0xc0: {  	[sflag:s0] =	ssyncadd.remote.s32 $0x1  }
0xc1: {  	_ =	sfence.sel $0xFFFF  }
0xc2: {  	[dreg:$0x0] =	wrdreg $0xFFFFFFFF;
	(pc) =	sbr.abs _section_cstart, $3  }
0xc3: {  	[dreg:$0x1] =	wrdreg $0xFFFFFFFF  }
0xc4: {  	_ =	task.clear_ibuf [dreg:s9], $0x2FFFF;
	_ =	strace $0x9FFFFFFF  }
0xc5: {  	(tm) =	ssettm $0x7FFFFFFF  }
tec
execute0_lowered:
.L_overlay_start_1:
0x0: {  	(tag) =	ssettag $0x1  }
0x1: {  	s9 =	rddreg [dreg:$0x0]  }
0x2: {  	s2 =	rddreg [dreg:$0x1]  }
0x3: {  	s12 =	rddreg [dreg:$0x2];
	s3 =	srdreg.scid  }
0x4: {  	s0 =	stileid.u32;
	s14 =	simm.s32 $0x200;
	s15 =	simm.s32 $0x400  }
0x5: {  	s16 =	simm.s32 $0x1000;
	s17 =	simm.s32 $0x5000;
	s18 =	simm.s32 $0x9000  }
0x6: {  	s19 =	simm.s32 $0xD000;
	s20 =	simm.s32 $0x1;
	s21 =	simm.s32 $0x2  }
0x7: {  	s22 =	simm.s32 $0x6;
	s23 =	simm.s32 $0x3;
	s24 =	simm.s32 $0x5  }
0x8: {  	s25 =	simm.s32 $0x4;
	s26 =	simm.s32 $0x0;
	s4 =	sand.u32 $0x1, s3  }
0x9: {  	s3 =	simm.s32 $0x0;
	s10 =	sshll.u32 s0, $0x13;
	s11 =	sshll.u32 s4, $0x12  }
0xa: {  	[smem:$0x7FF] =	sst s3;
	s5 =	ssub.s32 $0x2, s4;
	s13 =	sor.u32 s11, s10  }
.Ltmp0:
0xb: {  	_ =	strace $0x80000047;
	s6 =	sshrl.u32 s5, $0x1;
	(pc) =	sbr.rel .LBB2_1-.Ltmp0, $4  }
0xc: {  	s4 =	sadd.s32 s9, s13;
	s8 =	ssub.s32 s5, s6;
	s9 =	sadd.s32 s10, s9  }
0xd: {  	s12 =	sadd.s32 s12, s13;
	s13 =	simm.s32 $0x7;
	s5 =	sadd.s32 $0x40, s4  }
0xe: {  	s6 =	sadd.s32 $0x1000, s4;
	s7 =	sadd.s32 $0x1040, s4;
	s8 =	smax.u32 s8, $0x1  }
0xf: {  	s9 =	sadd.s32 s11, s9;
	s10 =	sadd.s32 $0x3040, s4;
	s11 =	sadd.s32 $0x2040, s4  }
.LBB2_8:
0x10: {  	s26 =	sadd.s32 $0x1, s26  }
0x11: {  	_ =	swait.ge [sflag:s24], $0x4000;
	p0 =	sne.s32 s26, s8  }
.Ltmp1:
0x12: {  	[sflag:s24] =	ssyncset.done $0x0;
	(pc) =	sbr.rel @!p0 .LBB2_9-.Ltmp1, $4  }
0x13: {  	[sflag:s24] =	ssyncadd.s32 $0xFFFFC000  }
0x14: {  	_ =	swait.ge [sflag:s22], $0x4000  }
0x15: {  	[sflag:s22] =	ssyncset.done $0x0  }
0x16: {  	[sflag:s22] =	ssyncadd.s32 $0xFFFFC000  }
.LBB2_1:
0x17: {  	[tilespmem:s3], [sflag:$0x7] =	stream.linear.gather [hbm4b:s2+s3], $0x1000, $0x38;
	[tilespmem:$0x11000] =	vst v63  }
0x18: {  	_ =	swait.ge [sflag:s13], $0x1000  }
0x19: {  	[sflag:s13] =	ssyncset.done $0x0  }
0x1a: {  	[sflag:s13] =	ssyncadd.s32 $0xFFFFF000  }
0x1b: {  	[tilespmem:s16], [sflag:$0x1] =	stream.strided.gather [hbm4b:s4+s14], $0x4000, s15, s14, $0x38;
	[tilespmem:$0x11000] =	vst v63  }
0x1c: {  	_ = 	snop  }
0x1d: {  	[tilespmem:s17], [sflag:$0x2] =	stream.strided.gather [hbm4b:s5+s14], $0x4000, s15, s14, $0x38;
	[tilespmem:$0x11000] =	vst v63  }
0x1e: {  	_ = 	snop  }
0x1f: {  	[tilespmem:s18], [sflag:$0x3] =	stream.strided.gather [hbm4b:s6+s14], $0x4000, s15, s14, $0x38;
	[tilespmem:$0x11000] =	vst v63  }
0x20: {  	s28 =	simm.s32 $0x0  }
0x21: {  	[tilespmem:s19], [sflag:$0x4] =	stream.strided.gather [hbm4b:s7+s14], $0x4000, s15, s14, $0x38;
	[tilespmem:$0x11000] =	vst v63  }
.LBB2_2:
0x22: {  	_ =	swait.ge [sflag:s20], $0x4000  }
0x23: {  	p0 =	seq.s32 s28, $0x0;
	p1 =	sne.s32 s28, $0x3E000;
	[sflag:s20] =	ssyncset.done $0x0  }
.Ltmp2:
0x24: {  	s29 =	simm.s32 @!p0 $0x5;
	[sflag:s20] =	ssyncadd.s32 $0xFFFFC000;
	(pc) =	sbr.rel @p1 .LBB2_4-.Ltmp2, $4  }
0x25: {  	_ =	swait.ge @!p0 [sflag:s29], $0x4000  }
0x26: {  	[sflag:s29] =	ssyncset.done @!p0 $0x0  }
0x27: {  	[sflag:s29] =	ssyncadd.s32 @!p0 $0xFFFFC000;
	s29 =	sadd.s32 s28, s12  }
0x28: {  	[hbm4b:s29+s14] =	stream.strided.scatter [tilespmem:s16], [sflag:$0x5], $0x4000, s15, s14, $0x38;
	[tilespmem:$0x11000] =	vst v63  }
.Ltmp3:
0x29: {  	(pc) =	sbr.rel .LBB2_5-.Ltmp3, $4  }
0x2a: {  	_ = 	snop  }
0x2b: {  	_ =	swait.ge [sflag:s21], $0x4000  }
0x2c: {  	[sflag:s21] =	ssyncset.done $0x0  }
0x2d: {  	[sflag:s21] =	ssyncadd.s32 $0xFFFFC000  }
.LBB2_4:
0x2e: {  	s30 =	sadd.s32 s28, s9  }
.Ltmp4:
0x2f: {  	s30 =	sadd.s32 $0x2000, s30;
	(pc) =	sbr.rel @p0 .LBB2_6-.Ltmp4, $4  }
0x30: {  	[tilespmem:s16], [sflag:$0x1] =	stream.strided.gather [hbm4b:s30+s14], $0x4000, s15, s14, $0x38;
	[tilespmem:$0x11000] =	vst v63  }
0x31: {  	_ =	swait.ge [sflag:s21], $0x4000  }
0x32: {  	[sflag:s21] =	ssyncset.done $0x0  }
0x33: {  	[sflag:s21] =	ssyncadd.s32 $0xFFFFC000  }
.LBB2_5:
0x34: {  	_ =	swait.ge [sflag:s22], $0x4000  }
0x35: {  	[sflag:s22] =	ssyncset.done $0x0  }
0x36: {  	[sflag:s22] =	ssyncadd.s32 $0xFFFFC000  }
.LBB2_6:
0x37: {  	p0 =	seq.s32 s28, $0x3E000;
	s30 =	sadd.s32 $0x40, s29  }
0x38: {  	[hbm4b:s30+s14] =	stream.strided.scatter [tilespmem:s17], [sflag:$0x6], $0x4000, s15, s14, $0x38;
	[tilespmem:$0x11000] =	vst v63  }
0x39: {  	s30 =	sadd.s32 @!p0 s28, s11  }
0x3a: {  	s31 =	simm.s32 @!p0 $0x200;
	s0 =	simm.s32 @!p0 $0x400;
	s1 =	simm.s32 @!p0 $0x5000  }
0x3b: {  	[tilespmem:s1], [sflag:$0x2] =	stream.strided.gather @!p0 [hbm4b:s30+s31], $0x4000, s0, s31, $0x38;
	[tilespmem:$0x11000] =	vst v63  }
0x3c: {  	_ =	swait.ge [sflag:s23], $0x4000  }
0x3d: {  	[sflag:s23] =	ssyncset.done $0x0  }
0x3e: {  	[sflag:s23] =	ssyncadd.s32 $0xFFFFC000  }
0x3f: {  	_ =	swait.ge [sflag:s24], $0x4000  }
0x40: {  	[sflag:s24] =	ssyncset.done $0x0  }
0x41: {  	s30 =	sadd.s32 $0x1000, s29;
	s1 =	sadd.s32 @!p0 s28, s9;
	[sflag:s24] =	ssyncadd.s32 $0xFFFFC000  }
0x42: {  	[hbm4b:s30+s14] =	stream.strided.scatter [tilespmem:s18], [sflag:$0x5], $0x4000, s15, s14, $0x38;
	[tilespmem:$0x11000] =	vst v63  }
0x43: {  	s1 =	sadd.s32 @!p0 $0x3000, s1;
	s30 =	simm.s32 @!p0 $0x9000  }
0x44: {  	[tilespmem:s30], [sflag:$0x3] =	stream.strided.gather @!p0 [hbm4b:s1+s31], $0x4000, s0, s31, $0x38;
	[tilespmem:$0x11000] =	vst v63  }
0x45: {  	_ =	swait.ge [sflag:s25], $0x4000  }
0x46: {  	[sflag:s25] =	ssyncset.done $0x0  }
.Ltmp5:
0x47: {  	[sflag:s25] =	ssyncadd.s32 $0xFFFFC000;
	(pc) =	sbr.rel @p0 .LBB2_8-.Ltmp5, $4  }
0x48: {  	_ =	swait.ge [sflag:s22], $0x4000  }
0x49: {  	[sflag:s22] =	ssyncset.done $0x0  }
0x4a: {  	s31 =	sadd.s32 $0x1040, s29;
	[sflag:s22] =	ssyncadd.s32 $0xFFFFC000  }
0x4b: {  	[hbm4b:s31+s14] =	stream.strided.scatter [tilespmem:s19], [sflag:$0x6], $0x4000, s15, s14, $0x38;
	[tilespmem:$0x11000] =	vst v63  }
.Ltmp6:
0x4c: {  	(pc) =	sbr.rel .LBB2_2-.Ltmp6, $3  }
0x4d: {  	_ =	sdelay $0x1  }
0x4e: {  	s0 =	sadd.s32 s28, s10;
	s28 =	sadd.s32 $0x2000, s28  }
0x4f: {  	[tilespmem:s19], [sflag:$0x4] =	stream.strided.gather [hbm4b:s0+s14], $0x4000, s15, s14, $0x38;
	[tilespmem:$0x11000] =	vst v63  }
.LBB2_9:
0x50: {  	_ =	sfence.sel $0x180000  }
0x51: {  	[bflag:$0x0] =	sbarrier.arrive $0xFFFF  }
0x52: {  	_ =	strace $0x90000047  }
0x53: {  	s0 =	stileid.u32;
	[bflag:$0x2] =	sbarrier.arrive $0xFFFF  }
0x54: {  	p0 =	sne.s32 s0, $0x0;
	s0 =	rddreg [dreg:$0x3]  }
0x55: {  	s0 =	sadd.s32 @!p0 $0x100000, s0  }
0x56: {  	[sflag:s0] =	ssyncadd.tile.s32 @!p0 $0x1;
	_ =	shalt  }
.Lfunc_end2:
_tile_overlayer_lowered:
.L_overlay_start_2:
0x57: {  	(tag) =	ssettag $0x2  }
0x58: {  	s0 =	rddreg [dreg:$0x0];
	s2 =	stileid.u32  }
0x59: {  	s1 =	rddreg [dreg:$0x1];
	p0 =	sne.s32 s2, $0x0  }
0x5a: {  	s3 =	rddreg [dreg:$0x2];
	[bflag:$0x3] =	sbarrier.arrive $0xFFFF;
	s2 =	simm.s32 @!p0 $0x1C07  }
0x5b: {  	[timem:s3], [sflag:s2] =	dma.local @!p0 [hbm:s0], s1  }
0x5c: {  	s0 =	simm.s32 @!p0 $0x7  }
0x5d: {  	_ =	swait.ge @!p0 [sflag:s0], s1  }
0x5e: {  	s1 =	ssub.s32 @!p0 $0x0, s1;
	[sflag:s0] =	ssyncset.done @!p0 $0x0  }
0x5f: {  	[sflag:s0] =	ssyncadd.s32 @!p0 s1  }
0x60: {  	[bflag:$0x3] =	sbarrier.arrive $0xFFFF  }
0x61: {  	_ =	shalt  }

</sc_bundles>
